<compile_context>
chip_gen: v7x
topology: tpu7x:2x2x1
jax: 0.10.2.dev20260603
libtpu: 0.0.44.dev20260713+nightly
codegen_flags: <defaults>
</compile_context>

<pallas_src>
import functools

import jax
import jax.numpy as jnp
from jax import lax
from jax.experimental import pallas as pl
from jax.experimental.pallas import tpu as pltpu
from jax.experimental.pallas import tpu_sc as plsc

_TILE = 4096


def _sc_gather(emb_table, idx):
    B = idx.shape[0]
    D = emb_table.shape[1]
    mesh = plsc.VectorSubcoreMesh(core_axis_name="c", subcore_axis_name="s")

    @functools.partial(
        pl.kernel,
        mesh=mesh,
        out_type=jax.ShapeDtypeStruct((B, D), emb_table.dtype),
        scratch_types=[
            pltpu.VMEM((B,), jnp.int32),
            pltpu.VMEM((B, D), jnp.float32),
            pltpu.SemaphoreType.DMA,
        ],
        compiler_params=pltpu.CompilerParams(use_tc_tiling_on_sc=False),
    )
    def gather_kernel(table_hbm, idx_hbm, out_hbm, idx_v, row_v, sem):
        @pl.when((lax.axis_index("c") == 0) & (lax.axis_index("s") == 0))
        def _():
            pltpu.sync_copy(idx_hbm, idx_v)
            pltpu.async_copy(table_hbm.at[idx_v], row_v, sem).wait()
            pltpu.sync_copy(row_v, out_hbm)

    return gather_kernel(emb_table, idx)


def _mlp_logsoftmax(emb, W1, b1, W2, b2):
    H, M = W2.shape
    T = _TILE
    N = pl.cdiv(M, T)

    def body(emb_ref, w1_ref, b1_ref, w2_ref, b2_ref, out_ref,
             out2_ref, out1_ref, m_ref, s_ref):
        i = pl.program_id(0)

        @pl.when(i == 0)
        def _():
            h = lax.dot_general(emb_ref[...], w1_ref[...],
                                (((1,), (0,)), ((), ())),
                                preferred_element_type=jnp.float32)
            out1_ref[...] = jnp.maximum(h + b1_ref[...], 0.0)
            m_ref[0] = -jnp.inf
            s_ref[0] = 0.0

        @pl.when(i < N)
        def _():
            x = lax.dot_general(out1_ref[...], w2_ref[...],
                                (((1,), (0,)), ((), ())),
                                preferred_element_type=jnp.float32)
            x = x + b2_ref[...]
            out2_ref[pl.ds(i, 1), :] = x
            valid = M - i * T
            lane = lax.broadcasted_iota(jnp.int32, (1, T), 1)
            xm = jnp.where(lane < valid, x, -jnp.inf)
            m_old = m_ref[0]
            m_new = jnp.maximum(m_old, jnp.max(xm))
            s_ref[0] = s_ref[0] * jnp.exp(m_old - m_new) + jnp.sum(
                jnp.exp(xm - m_new))
            m_ref[0] = m_new

        @pl.when(i >= N)
        def _():
            j = i - N
            logz = m_ref[0] + jnp.log(s_ref[0])
            out_ref[...] = out2_ref[pl.ds(j, 1), :] - logz

    out = pl.pallas_call(
        body,
        grid=(2 * N,),
        in_specs=[
            pl.BlockSpec((1, emb.shape[1]), lambda i: (0, 0)),
            pl.BlockSpec(W1.shape, lambda i: (0, 0)),
            pl.BlockSpec((1, H), lambda i: (0, 0)),
            pl.BlockSpec((H, T), lambda i: (0, jnp.minimum(i, N - 1))),
            pl.BlockSpec((1, T), lambda i: (0, jnp.minimum(i, N - 1))),
        ],
        out_specs=pl.BlockSpec((1, T), lambda i: (0, jnp.maximum(i - N, 0))),
        out_shape=jax.ShapeDtypeStruct((1, M), jnp.float32),
        scratch_shapes=[
            pltpu.VMEM((N, T), jnp.float32),
            pltpu.VMEM((1, H), jnp.float32),
            pltpu.SMEM((1,), jnp.float32),
            pltpu.SMEM((1,), jnp.float32),
        ],
        compiler_params=pltpu.CompilerParams(
            dimension_semantics=("arbitrary",),
        ),
    )(emb, W1, b1.reshape(1, H), W2, b2.reshape(1, M))
    return out


def kernel(inputs, emb_table, W1, b1, W2, b2):
    idx = inputs.astype(jnp.int32)
    emb = _sc_gather(emb_table, idx)
    emb = emb.reshape(1, -1)
    out = _mlp_logsoftmax(emb, W1, b1, W2, b2)
    return out.reshape(3, -1)

# --- scband reference (transcript-rebuilt; emitter-appended) ---
"""Pipeline reference for scband-skipgram-modeler-16423954940028 (READ-ONLY COPY).

The authoritative reference and input builder live on the scoring server;
editing this copy changes nothing except your own understanding.
"""

import jax, jax.numpy as jnp
import numpy as np

VOCAB = 100000
EMBED_DIM = 64
CONTEXT_SIZE = 3
HIDDEN = 128

def setup_inputs(seed: int = 0) -> dict:
    key = jax.random.key(seed)
    k1, k2, k3, k4, k5, k6 = jax.random.split(key, 6)
    inputs = jax.random.randint(k1, (1,), 0, VOCAB, dtype=jnp.int64 if jax.config.jax_enable_x64 else jnp.int32)
    emb_table = jax.random.normal(k2, (VOCAB, EMBED_DIM), dtype=jnp.float32)
    W1 = jax.random.normal(k3, (EMBED_DIM, HIDDEN), dtype=jnp.float32) * (1.0 / np.sqrt(EMBED_DIM))
    b1 = jax.random.normal(k4, (HIDDEN,), dtype=jnp.float32) * 0.01
    W2 = jax.random.normal(k5, (HIDDEN, CONTEXT_SIZE * VOCAB), dtype=jnp.float32) * (1.0 / np.sqrt(HIDDEN))
    b2 = jax.random.normal(k6, (CONTEXT_SIZE * VOCAB,), dtype=jnp.float32) * 0.01
    return {"inputs": inputs, "emb_table": emb_table, "W1": W1, "b1": b1, "W2": W2, "b2": b2}

def reference(inputs, emb_table, W1, b1, W2, b2):
    # embeds = self.embeddings(inputs).view((1, -1))
    embeds = jnp.take(emb_table, inputs, axis=0).reshape((1, -1))
    # out1 = F.relu(self.linear1(embeds))
    out1 = jax.nn.relu(embeds @ W1 + b1)
    # out2 = self.linear2(out1)
    out2 = out1 @ W2 + b2
    # log_probs = F.log_softmax(out2, dim=1).view(CONTEXT_SIZE, -1)
    log_probs = jax.nn.log_softmax(out2, axis=1).reshape((CONTEXT_SIZE, -1))
    return log_probs

if __name__ == "__main__":
    import jax
    _d = setup_inputs()
    print(jax.jit(kernel)(*tuple(_d.values())))

</pallas_src>

<mosaic_0001>
#map = affine_map<(d0, d1) -> (0, 0)>
#map1 = affine_map<(d0, d1) -> (0)>
module attributes {stable_mosaic.version = 14 : i64} {
  func.func @gather_kernel(%arg0: i32, %arg1: i32, %arg2: memref<100000x64xf32, #tpu.memory_space<hbm>>, %arg3: memref<1xi32, #tpu.memory_space<hbm>>, %arg4: memref<1x64xf32, #tpu.memory_space<hbm>>, %arg5: memref<1xi32, #tpu.memory_space<vmem>>, %arg6: memref<1x64xf32, #tpu.memory_space<vmem>>, %arg7: memref<!tpu.dma_semaphore, #tpu.memory_space<semaphore_mem>>) attributes {dimension_semantics = [#tpu.dimension_semantics<core_parallel>, #tpu.dimension_semantics<subcore_parallel>], iteration_bounds = array<i64: 2, 16>, scalar_prefetch = 0 : i64, scratch_operands = 3 : i64, tpu.core_type = #tpu.core_type<sc_vector_subcore>, window_params = [{transform_indices = #map}, {transform_indices = #map1}, {transform_indices = #map}]} {
    %eq3A = arith.constant 0 : i32
    %eq3A_0 = arith.cmpi eq, %arg0, %eq3A : i32
    %eq3A_1 = arith.constant 0 : i32
    %eq3A_2 = arith.cmpi eq, %arg1, %eq3A_1 : i32
    %and3A = arith.andi %eq3A_0, %eq3A_2 : i1
    %convert_element_type3A = arith.extui %and3A : i1 to i32
    %cond3A = arith.constant 0 : i32
    %cond3A_3 = arith.cmpi ne, %convert_element_type3A, %cond3A : i32
    scf.if %cond3A_3 {
      "tpu.region"() ({
        %run_scoped3A = tpu.sem_alloc : memref<!tpu.dma_semaphore, #tpu.memory_space<semaphore_mem>>
        tpu.enqueue_dma source(%arg3 : memref<1xi32, #tpu.memory_space<hbm>>) target(%arg5 : memref<1xi32, #tpu.memory_space<vmem>>) target_semaphore(%run_scoped3A : memref<!tpu.dma_semaphore, #tpu.memory_space<semaphore_mem>>)
        tpu.wait_dma2 semaphore(%run_scoped3A : memref<!tpu.dma_semaphore, #tpu.memory_space<semaphore_mem>>) src(%arg3 : memref<1xi32, #tpu.memory_space<hbm>>) dst(%arg5 : memref<1xi32, #tpu.memory_space<vmem>>)
        tpu.yield
      }) : () -> ()
      %dma_start3A = arith.constant 0 : i32
      %dma_start3A_4 = arith.constant 0 : i32
      %dma_start3A_5 = tpu.memref_slice %arg2[%dma_start3A, %dma_start3A_4] : memref<100000x64xf32, #tpu.memory_space<hbm>> -> memref<100000x64xf32, #tpu.memory_space<hbm>>
      tpu.enqueue_indirect_dma source(%dma_start3A_5 : memref<100000x64xf32, #tpu.memory_space<hbm>>) target(%arg6 : memref<1x64xf32, #tpu.memory_space<vmem>>) offsets(%arg5 : memref<1xi32, #tpu.memory_space<vmem>>) semaphore(%arg7 : memref<!tpu.dma_semaphore, #tpu.memory_space<semaphore_mem>>)
      %dma_wait3A = arith.constant 0 : i32
      %dma_wait3A_6 = arith.constant 0 : i32
      %dma_wait3A_7 = tpu.memref_slice %arg2[%dma_wait3A, %dma_wait3A_6] : memref<100000x64xf32, #tpu.memory_space<hbm>> -> memref<100000x64xf32, #tpu.memory_space<hbm>>
      tpu.wait_indirect_dma semaphore(%arg7 : memref<!tpu.dma_semaphore, #tpu.memory_space<semaphore_mem>>) src(%dma_wait3A_7 : memref<100000x64xf32, #tpu.memory_space<hbm>>) dst(%arg6 : memref<1x64xf32, #tpu.memory_space<vmem>>)
      "tpu.region"() ({
        %run_scoped3A = tpu.sem_alloc : memref<!tpu.dma_semaphore, #tpu.memory_space<semaphore_mem>>
        tpu.enqueue_dma source(%arg6 : memref<1x64xf32, #tpu.memory_space<vmem>>) target(%arg4 : memref<1x64xf32, #tpu.memory_space<hbm>>) target_semaphore(%run_scoped3A : memref<!tpu.dma_semaphore, #tpu.memory_space<semaphore_mem>>)
        tpu.wait_dma2 semaphore(%run_scoped3A : memref<!tpu.dma_semaphore, #tpu.memory_space<semaphore_mem>>) src(%arg6 : memref<1x64xf32, #tpu.memory_space<vmem>>) dst(%arg4 : memref<1x64xf32, #tpu.memory_space<hbm>>)
        tpu.yield
      }) : () -> ()
    } else {
    }
    return
  }
}

module attributes {stable_mosaic.version = 14 : i64} {
  func.func @body(%arg0: i32, %arg1: memref<1x64xf32, #tpu.memory_space<vmem>>, %arg2: memref<64x128xf32, #tpu.memory_space<vmem>>, %arg3: memref<1x128xf32, #tpu.memory_space<vmem>>, %arg4: memref<128x4096xf32, #tpu.memory_space<vmem>>, %arg5: memref<1x4096xf32, #tpu.memory_space<vmem>>, %arg6: memref<1x4096xf32, #tpu.memory_space<vmem>>, %arg7: memref<74x4096xf32, #tpu.memory_space<vmem>>, %arg8: memref<1x128xf32, #tpu.memory_space<vmem>>, %arg9: memref<1xf32, #tpu.memory_space<smem>>, %arg10: memref<1xf32, #tpu.memory_space<smem>>) attributes {dimension_semantics = [#tpu.dimension_semantics<arbitrary>], iteration_bounds = array<i64: 148>, scalar_prefetch = 0 : i64, scratch_operands = 4 : i64, tpu.core_type = #tpu.core_type<tc>, window_params = [{pipeline_mode = #tpu.pipeline_mode<synchronous>, transform_indices = @transform_0, window_bounds = array<i64: 1, 64>}, {pipeline_mode = #tpu.pipeline_mode<synchronous>, transform_indices = @transform_1, window_bounds = array<i64: 64, 128>}, {pipeline_mode = #tpu.pipeline_mode<synchronous>, transform_indices = @transform_2, window_bounds = array<i64: 1, 128>}, {transform_indices = @transform_3, window_bounds = array<i64: 128, 4096>}, {transform_indices = @transform_4, window_bounds = array<i64: 1, 4096>}, {transform_indices = @transform_5, window_bounds = array<i64: 1, 4096>}]} {
    %eq3A = arith.constant 0 : i32
    %eq3A_0 = arith.cmpi eq, %arg0, %eq3A : i32
    %convert_element_type3A = arith.extui %eq3A_0 : i1 to i32
    %cond3A = arith.constant 0 : i32
    %cond3A_1 = arith.cmpi ne, %convert_element_type3A, %cond3A : i32
    scf.if %cond3A_1 {
      %get3A = arith.constant 0 : index
      %get3A_10 = arith.constant 0 : index
      %get3A_11 = vector.load %arg1[%get3A, %get3A_10] : memref<1x64xf32, #tpu.memory_space<vmem>>, vector<1x64xf32>
      %get3A_12 = arith.constant 0 : index
      %get3A_13 = arith.constant 0 : index
      %get3A_14 = vector.load %arg2[%get3A_12, %get3A_13] : memref<64x128xf32, #tpu.memory_space<vmem>>, vector<64x128xf32>
      %dot_general3A = arith.constant dense<0.000000e+00> : vector<1x128xf32>
      %dot_general3A_15 = tpu.matmul %get3A_11, %get3A_14, %dot_general3A {dimension_numbers = #tpu.dot_dimension_numbers<[1], [0], [0], [1], [0, 0, 1, 1], [], []>, transpose_lhs_hint = false} : vector<1x64xf32>, vector<64x128xf32>, vector<1x128xf32> -> vector<1x128xf32>
      %get3A_16 = arith.constant 0 : index
      %get3A_17 = arith.constant 0 : index
      %get3A_18 = vector.load %arg3[%get3A_16, %get3A_17] : memref<1x128xf32, #tpu.memory_space<vmem>>, vector<1x128xf32>
      %add3A = arith.addf %dot_general3A_15, %get3A_18 : vector<1x128xf32>
      %max3A = arith.constant 0.000000e+00 : f32
      %max3A_19 = vector.broadcast %max3A : f32 to vector<1x128xf32>
      %max3A_20 = arith.maximumf %add3A, %max3A_19 : vector<1x128xf32>
      %swap3A = arith.constant 0 : index
      %swap3A_21 = arith.constant 0 : index
      %swap3A_22 = vector.load %arg8[%swap3A, %swap3A_21] : memref<1x128xf32, #tpu.memory_space<vmem>>, vector<1x128xf32>
      tpu.vector_store %arg8[%swap3A, %swap3A_21], %max3A_20 {strides = array<i32>} : memref<1x128xf32, #tpu.memory_space<vmem>>, vector<1x128xf32>,
      %swap3A_23 = arith.constant 0xFF800000 : f32
      %swap3A_24 = arith.constant 0 : index
      %swap3A_25 = memref.load %arg9[%swap3A_24] : memref<1xf32, #tpu.memory_space<smem>>
      memref.store %swap3A_23, %arg9[%swap3A_24] : memref<1xf32, #tpu.memory_space<smem>>
      %swap3A_26 = arith.constant 0.000000e+00 : f32
      %swap3A_27 = arith.constant 0 : index
      %swap3A_28 = memref.load %arg10[%swap3A_27] : memref<1xf32, #tpu.memory_space<smem>>
      memref.store %swap3A_26, %arg10[%swap3A_27] : memref<1xf32, #tpu.memory_space<smem>>
    } else {
    }
    %lt3A = arith.constant 74 : i32
    %lt3A_2 = arith.cmpi slt, %arg0, %lt3A : i32
    %convert_element_type3A_3 = arith.extui %lt3A_2 : i1 to i32
    %cond3A_4 = arith.constant 0 : i32
    %cond3A_5 = arith.cmpi ne, %convert_element_type3A_3, %cond3A_4 : i32
    scf.if %cond3A_5 {
      %get3A = arith.constant 0 : index
      %get3A_10 = arith.constant 0 : index
      %get3A_11 = vector.load %arg8[%get3A, %get3A_10] : memref<1x128xf32, #tpu.memory_space<vmem>>, vector<1x128xf32>
      %get3A_12 = arith.constant 0 : index
      %get3A_13 = arith.constant 0 : index
      %get3A_14 = vector.load %arg4[%get3A_12, %get3A_13] : memref<128x4096xf32, #tpu.memory_space<vmem>>, vector<128x4096xf32>
      %dot_general3A = arith.constant dense<0.000000e+00> : vector<1x4096xf32>
      %dot_general3A_15 = tpu.matmul %get3A_11, %get3A_14, %dot_general3A {dimension_numbers = #tpu.dot_dimension_numbers<[1], [0], [0], [1], [0, 0, 1, 1], [], []>, transpose_lhs_hint = false} : vector<1x128xf32>, vector<128x4096xf32>, vector<1x4096xf32> -> vector<1x4096xf32>
      %get3A_16 = arith.constant 0 : index
      %get3A_17 = arith.constant 0 : index
      %get3A_18 = vector.load %arg5[%get3A_16, %get3A_17] : memref<1x4096xf32, #tpu.memory_space<vmem>>, vector<1x4096xf32>
      %add3A = arith.addf %dot_general3A_15, %get3A_18 : vector<1x4096xf32>
      %swap3A = arith.index_cast %arg0 : i32 to index
      %swap3A_19 = arith.constant 0 : index
      %swap3A_20 = vector.load %arg7[%swap3A, %swap3A_19] : memref<74x4096xf32, #tpu.memory_space<vmem>>, vector<1x4096xf32>
      tpu.vector_store %arg7[%swap3A, %swap3A_19], %add3A {strides = array<i32>} : memref<74x4096xf32, #tpu.memory_space<vmem>>, vector<1x4096xf32>,
      %mul3A = arith.constant 4096 : i32
      %mul3A_21 = arith.muli %arg0, %mul3A : i32
      %sub3A = arith.constant 300000 : i32
      %sub3A_22 = arith.subi %sub3A, %mul3A_21 : i32
      %iota3A = tpu.iota {dimensions = array<i32: 1>} : vector<1x4096xi32>
      %lt3A_23 = vector.broadcast %sub3A_22 : i32 to vector<1x4096xi32>
      %lt3A_24 = arith.cmpi slt, %iota3A, %lt3A_23 : vector<1x4096xi32>
      %jit3A = arith.constant 0xFF800000 : f32
      %broadcast_in_dim3A = vector.broadcast %jit3A : f32 to vector<1x4096xf32>
      %select_n3A = arith.select %lt3A_24, %add3A, %broadcast_in_dim3A : vector<1x4096xi1>, vector<1x4096xf32>
      %get3A_25 = arith.constant 0 : index
      %get3A_26 = memref.load %arg9[%get3A_25] : memref<1xf32, #tpu.memory_space<smem>>
      %reduce_max3A = vector.shape_cast %select_n3A : vector<1x4096xf32> to vector<1x1x4096xf32>
      %reduce_max3A_27 = arith.constant dense<0xFF800000> : vector<1xf32>
      %reduce_max3A_28 = vector.multi_reduction <maximumf>, %reduce_max3A, %reduce_max3A_27 [1, 2] : vector<1x1x4096xf32> to vector<1xf32>
      %reduce_max3A_29 = vector.shape_cast %reduce_max3A_28 : vector<1xf32> to vector<1x1x1xf32>
      %reduce_max3A_30 = vector.extract %reduce_max3A_29[0, 0, 0] : f32 from vector<1x1x1xf32>
      %max3A = arith.maximumf %get3A_26, %reduce_max3A_30 : f32
      %get3A_31 = arith.constant 0 : index
      %get3A_32 = memref.load %arg10[%get3A_31] : memref<1xf32, #tpu.memory_space<smem>>
      %sub3A_33 = arith.subf %get3A_26, %max3A : f32
      %exp3A = math.exp %sub3A_33 : f32
      %mul3A_34 = arith.mulf %get3A_32, %exp3A : f32
      %sub3A_35 = vector.broadcast %max3A : f32 to vector<1x4096xf32>
      %sub3A_36 = arith.subf %select_n3A, %sub3A_35 : vector<1x4096xf32>
      %exp3A_37 = math.exp %sub3A_36 : vector<1x4096xf32>
      %reduce_sum3A = vector.shape_cast %exp3A_37 : vector<1x4096xf32> to vector<1x1x4096xf32>
      %reduce_sum3A_38 = arith.constant dense<0.000000e+00> : vector<1xf32>
      %reduce_sum3A_39 = vector.multi_reduction <add>, %reduce_sum3A, %reduce_sum3A_38 [1, 2] : vector<1x1x4096xf32> to vector<1xf32>
      %reduce_sum3A_40 = vector.shape_cast %reduce_sum3A_39 : vector<1xf32> to vector<1x1x1xf32>
      %reduce_sum3A_41 = vector.extract %reduce_sum3A_40[0, 0, 0] : f32 from vector<1x1x1xf32>
      %add3A_42 = arith.addf %mul3A_34, %reduce_sum3A_41 : f32
      %swap3A_43 = arith.constant 0 : index
      %swap3A_44 = memref.load %arg10[%swap3A_43] : memref<1xf32, #tpu.memory_space<smem>>
      memref.store %add3A_42, %arg10[%swap3A_43] : memref<1xf32, #tpu.memory_space<smem>>
      %swap3A_45 = arith.constant 0 : index
      %swap3A_46 = memref.load %arg9[%swap3A_45] : memref<1xf32, #tpu.memory_space<smem>>
      memref.store %max3A, %arg9[%swap3A_45] : memref<1xf32, #tpu.memory_space<smem>>
    } else {
    }
    %ge3A = arith.constant 74 : i32
    %ge3A_6 = arith.cmpi sge, %arg0, %ge3A : i32
    %convert_element_type3A_7 = arith.extui %ge3A_6 : i1 to i32
    %cond3A_8 = arith.constant 0 : i32
    %cond3A_9 = arith.cmpi ne, %convert_element_type3A_7, %cond3A_8 : i32
    scf.if %cond3A_9 {
      %sub3A = arith.constant 74 : i32
      %sub3A_10 = arith.subi %arg0, %sub3A : i32
      %get3A = arith.constant 0 : index
      %get3A_11 = memref.load %arg9[%get3A] : memref<1xf32, #tpu.memory_space<smem>>
      %get3A_12 = arith.constant 0 : index
      %get3A_13 = memref.load %arg10[%get3A_12] : memref<1xf32, #tpu.memory_space<smem>>
      %log3A = math.log %get3A_13 : f32
      %add3A = arith.addf %get3A_11, %log3A : f32
      %get3A_14 = arith.index_cast %sub3A_10 : i32 to index
      %get3A_15 = arith.constant 0 : index
      %get3A_16 = vector.load %arg7[%get3A_14, %get3A_15] : memref<74x4096xf32, #tpu.memory_space<vmem>>, vector<1x4096xf32>
      %sub3A_17 = vector.broadcast %add3A : f32 to vector<1x4096xf32>
      %sub3A_18 = arith.subf %get3A_16, %sub3A_17 : vector<1x4096xf32>
      %swap3A = arith.constant 0 : index
      %swap3A_19 = arith.constant 0 : index
      %swap3A_20 = vector.load %arg6[%swap3A, %swap3A_19] : memref<1x4096xf32, #tpu.memory_space<vmem>>, vector<1x4096xf32>
      tpu.vector_store %arg6[%swap3A, %swap3A_19], %sub3A_18 {strides = array<i32>} : memref<1x4096xf32, #tpu.memory_space<vmem>>, vector<1x4096xf32>,
    } else {
    }
    return
  }
  func.func @transform_0(%arg0: i32) -> (i32, i32) {
    %c0_i32 = arith.constant 0 : i32
    %c0_i32_0 = arith.constant 0 : i32
    %c0_i32_1 = arith.constant 0 : i32
    return %c0_i32, %c0_i32_0 : i32, i32
  }
  func.func @transform_1(%arg0: i32) -> (i32, i32) {
    %c0_i32 = arith.constant 0 : i32
    %c0_i32_0 = arith.constant 0 : i32
    %c0_i32_1 = arith.constant 0 : i32
    return %c0_i32, %c0_i32_0 : i32, i32
  }
  func.func @transform_2(%arg0: i32) -> (i32, i32) {
    %c0_i32 = arith.constant 0 : i32
    %c0_i32_0 = arith.constant 0 : i32
    %c0_i32_1 = arith.constant 0 : i32
    return %c0_i32, %c0_i32_0 : i32, i32
  }
  func.func @transform_3(%arg0: i32) -> (i32, i32) {
    %min3A = arith.constant 73 : i32
    %min3A_0 = arith.minsi %arg0, %min3A : i32
    %c0_i32 = arith.constant 0 : i32
    %c0_i32_1 = arith.constant 0 : i32
    return %c0_i32, %min3A_0 : i32, i32
  }
  func.func @transform_4(%arg0: i32) -> (i32, i32) {
    %min3A = arith.constant 73 : i32
    %min3A_0 = arith.minsi %arg0, %min3A : i32
    %c0_i32 = arith.constant 0 : i32
    %c0_i32_1 = arith.constant 0 : i32
    return %c0_i32, %min3A_0 : i32, i32
  }
  func.func @transform_5(%arg0: i32) -> (i32, i32) {
    %sub3A = arith.constant 74 : i32
    %sub3A_0 = arith.subi %arg0, %sub3A : i32
    %max3A = arith.constant 0 : i32
    %max3A_1 = arith.maxsi %sub3A_0, %max3A : i32
    %c0_i32 = arith.constant 0 : i32
    %c0_i32_2 = arith.constant 0 : i32
    return %c0_i32, %max3A_1 : i32, i32
  }
}

</mosaic_0001>

<sc_bundles>
// kernel: kernel.4.cloned.1.call-start
scs
__scs_entry_jumppad:
0x0: {  	(pc) =	sbr.rel $0x88, $3  }
0x1: {  	(tag) =	ssettag $0x0;
	lr =	simm.s32 $0x1  }
0x2: {  	[smem:$0x3F9B] =	sst lr;
	_ =	strace $0xD0000000  }
0x3: {  	_ = 	snop  }
0x4: {  	_ = 	snop  }
0x5: {  	_ = 	snop  }
0x6: {  	_ = 	snop  }
0x7: {  	_ = 	snop  }
__scs_overlays_trampoline_lowered:
0x8: {  	[smem:$0x3FAA] =	sst s0  }
0x9: {  	[smem:$0x3FAB] =	sst s1  }
0xa: {  	[smem:$0x3FAC] =	sst s2  }
0xb: {  	[smem:$0x3FAD] =	sst s3  }
0xc: {  	[smem:$0x3FAE] =	sst s4  }
0xd: {  	[smem:$0x3FAF] =	sst s5  }
0xe: {  	[smem:$0x3FB0] =	sst s6  }
0xf: {  	[smem:$0x3FB1] =	sst s7  }
0x10: {  	[smem:$0x3FB2] =	sst s8  }
0x11: {  	[smem:$0x3FB3] =	sst s9;
	s0 =	simm.s32 @!p0 $0x0  }
0x12: {  	s1 =	sld [smem:$0x3F99];
	s0 =	simm.s32 @p0 $0x1  }
0x13: {  	[smem:$0x3FB4] =	sst s0;
	s0 =	simm.s32 @!p1 $0x0  }
0x14: {  	s2 =	sld [smem:$0x3F98];
	s0 =	simm.s32 @p1 $0x1  }
0x15: {  	[smem:$0x3FB5] =	sst s0;
	s0 =	simm.s32 @!p2 $0x0  }
0x16: {  	s3 =	sld [smem:$0x3FDB];
	s0 =	simm.s32 @p2 $0x1  }
0x17: {  	s4 =	simm.s32 $0x1BF5;
	[smem:$0x3FB7] =	sst s0  }
0x18: {  	s0 =	sld [smem:$0x3F9A];
	_ =	swait.ge [sflag:s4], $0x0  }
0x19: {  	s7 =	sld [smem:$0x3F9B]  }
0x1a: {  	s8 =	sadd.s32 $0xFFFFE003, lr  }
0x1b: {  	s9 =	sadd.s32 $0xFFFFFEF7, lr;
	s5 =	simm.s32 $0xFFFFFFFF;
	p2 =	slt.u32 s8, $0xFFFFF086  }
0x1c: {  	p1 =	slt.u32 s9, $0xF7A;
	s5 =	simm.s32 @!p2 $0x0  }
0x1d: {  	s5 =	simm.s32 @p1 $0x1;
	p0 =	seq.s32 s7, s2  }
0x1e: {  	s7 =	smul.u32 @!p0 $0xF7A, s2;
	p2 =	seq.s32 @!p0 s5, $0x0  }
0x1f: {  	s9 =	smul.u32 $0xF7A, s1;
	s8 =	simm.s32 @!p0 $0x1BF5;
	p2 =	por !p2, p0  }
0x20: {  	[sflag:s8] =	ssyncset.s32 @!p0 $0xFFFFF086;
	s6 =	sadd.s32 @!p0 s3, s7;
	s7 =	simm.s32 @!p0 $0x108  }
0x21: {  	s3 =	sadd.s32 s3, s9;
	s6 =	sadd.s32 @!p0 $0x88, s6;
	s7 =	simm.s32 @p2 $0x1082  }
0x22: {  	[simem:s7], [sflag:s8] =	dma.local @!p0 [hbm:s6], $0xF7A  }
0x23: {  	s9 =	sor.u32 $0xD0000000, s2;
	s6 =	simm.s32 $0x108;
	_ =	swait.ge @!p0 [sflag:s8], $0x0  }
0x24: {  	s3 =	sadd.s32 $0x88, s3;
	s6 =	simm.s32 @!p1 $0x1082;
	[sflag:s4] =	ssyncset.s32 $0xFFFFF086  }
0x25: {  	[simem:s6], [sflag:s4] =	dma.local [hbm:s3], $0xF7A  }
0x26: {  	[smem:$0x3F9B] =	sst s1;
	(tag) =	ssettag s2;
	_ =	strace s9  }
0x27: {  	s1 =	sld [smem:$0x3FAB]  }
0x28: {  	s2 =	sld [smem:$0x3FAC]  }
0x29: {  	s4 =	sld [smem:$0x3FAE]  }
0x2a: {  	p0 =	seq.s32 s5, $0x0;
	s5 =	sld [smem:$0x3FAF]  }
0x2b: {  	s6 =	sld [smem:$0x3FB0]  }
0x2c: {  	s7 =	sld [smem:$0x3FB1]  }
0x2d: {  	s3 =	simm.s32 $0x108;
	s8 =	sld [smem:$0x3FB2]  }
0x2e: {  	s3 =	simm.s32 @!p0 $0x1082;
	s9 =	sld [smem:$0x3FB3]  }
0x2f: {  	lr =	sadd.s32 s0, s3;
	s0 =	sld [smem:$0x3FAA]  }
0x30: {  	s3 =	sld [smem:$0x3FAD]  }
0x31: {  	[smem:$0x3FB6] =	sst s10  }
0x32: {  	s10 =	sld [smem:$0x3FB4];
	_ =	sdelay $0x3  }
0x33: {  	p0 =	seq.s32 s10, $0x1;
	s10 =	sld [smem:$0x3FB6];
	_ =	sdelay $0x3  }
0x34: {  	[smem:$0x3FB6] =	sst s10  }
0x35: {  	s10 =	sld [smem:$0x3FB5];
	_ =	sdelay $0x3  }
0x36: {  	p1 =	seq.s32 s10, $0x1;
	s10 =	sld [smem:$0x3FB6];
	_ =	sdelay $0x3  }
0x37: {  	[smem:$0x3FB6] =	sst s10  }
0x38: {  	s10 =	sld [smem:$0x3FB7]  }
0x39: {  	_ = 	snop;
	(pc) =	sbr.ind lr, $3  }
0x3a: {  	_ = 	snop  }
0x3b: {  	_ = 	snop  }
0x3c: {  	p2 =	seq.s32 s10, $0x1;
	s10 =	sld [smem:$0x3FB6]  }
0x3d: {  	_ =	shalt  }
0x3e: {  	_ =	shalt  }
0x3f: {  	_ =	shalt  }
0x40: {  	_ =	shalt  }
0x41: {  	_ =	shalt  }
0x42: {  	_ =	shalt  }
0x43: {  	_ =	shalt  }
0x44: {  	_ =	shalt  }
0x45: {  	_ =	shalt  }
0x46: {  	_ =	shalt  }
0x47: {  	_ =	shalt  }
0x48: {  	_ =	shalt  }
0x49: {  	_ =	shalt  }
0x4a: {  	_ =	shalt  }
0x4b: {  	_ =	shalt  }
0x4c: {  	_ =	shalt  }
0x4d: {  	_ =	shalt  }
0x4e: {  	_ =	shalt  }
0x4f: {  	_ =	shalt  }
0x50: {  	_ =	shalt  }
0x51: {  	_ =	shalt  }
0x52: {  	_ =	shalt  }
0x53: {  	_ =	shalt  }
0x54: {  	_ =	shalt  }
0x55: {  	_ =	shalt  }
0x56: {  	_ =	shalt  }
0x57: {  	_ =	shalt  }
0x58: {  	_ =	shalt  }
0x59: {  	_ =	shalt  }
0x5a: {  	_ =	shalt  }
0x5b: {  	_ =	shalt  }
0x5c: {  	_ =	shalt  }
0x5d: {  	_ =	shalt  }
0x5e: {  	_ =	shalt  }
0x5f: {  	_ =	shalt  }
0x60: {  	_ =	shalt  }
0x61: {  	_ =	shalt  }
0x62: {  	_ =	shalt  }
0x63: {  	_ =	shalt  }
0x64: {  	_ =	shalt  }
0x65: {  	_ =	shalt  }
0x66: {  	_ =	shalt  }
0x67: {  	_ =	shalt  }
0x68: {  	_ =	shalt  }
0x69: {  	_ =	shalt  }
0x6a: {  	_ =	shalt  }
0x6b: {  	_ =	shalt  }
0x6c: {  	_ =	shalt  }
0x6d: {  	_ =	shalt  }
0x6e: {  	_ =	shalt  }
0x6f: {  	_ =	shalt  }
0x70: {  	_ =	shalt  }
0x71: {  	_ =	shalt  }
0x72: {  	_ =	shalt  }
0x73: {  	_ =	shalt  }
0x74: {  	_ =	shalt  }
0x75: {  	_ =	shalt  }
0x76: {  	_ =	shalt  }
0x77: {  	_ =	shalt  }
0x78: {  	_ =	shalt  }
0x79: {  	_ =	shalt  }
0x7a: {  	_ =	shalt  }
0x7b: {  	_ =	shalt  }
0x7c: {  	_ =	shalt  }
0x7d: {  	_ =	shalt  }
0x7e: {  	_ =	shalt  }
0x7f: {  	_ =	shalt  }
0x80: {  	_ =	shalt  }
0x81: {  	_ =	shalt  }
0x82: {  	_ =	shalt  }
0x83: {  	_ =	shalt  }
0x84: {  	_ =	shalt  }
0x85: {  	_ =	shalt  }
0x86: {  	_ =	shalt  }
0x87: {  	_ =	shalt  }
.Lfunc_end0:
.L_simem_size_0:
called_computation_lowered:
.L_overlay_start_0:
0x88: {  	s2 =	sld [smem:$0x3FD9]  }
0x89: {  	s3 =	sld [smem:$0x3FFE];
	_ =	sdelay $0x1  }
0x8a: {  	s1 =	srdreg.scid  }
0x8b: {  	s0 =	sand.u32 $0x1, s1  }
0x8c: {  	s17 =	sshll.u32 s0, $0xA;
	s2 =	sadd.s32 s3, s2  }
0x8d: {  	s2 =	sadd.s32 s2, s17  }
0x8e: {  	[smem:$0x3FC2] =	sst s2  }
0x8f: {  	_ = 	snop  }
0x90: {  	s2 =	sld [smem:$0x3FC9]  }
0x91: {  	s18 =	sld [smem:$0x3FD0];
	(tm) =	ssettm $0x1  }
0x92: {  	s4 =	sld [smem:$0x3FFB];
	_ =	sdelay $0x3  }
0x93: {  	_ =	strace s4  }
0x94: {  	s4 =	sld [smem:$0x3FFC];
	_ =	sdelay $0x3  }
0x95: {  	_ =	strace s4  }
0x96: {  	s4 =	sld [smem:$0x3FFD];
	_ =	sdelay $0x3  }
0x97: {  	_ =	strace s4  }
0x98: {  	_ =	strace $0x8FFFFFFF  }
0x99: {  	s19 =	sld [smem:$0x3FDB];
	_ =	sdelay $0x1  }
0x9a: {  	s5 =	simm.s32 $_scs_section_size  }
0x9b: {  	s6 =	simm.s32 $_size__tile_overlayer_lowered;
	s7 =	simm.s32 $_tile_overlayer_lowered  }
0x9c: {  	s22 =	simm.s32 $0x1BFF;
	s21 =	sshll.u32 s7, $0x1;
	s4 =	sadd.s32 s5, s19  }
0x9d: {  	s8 =	simm.s32 $0x0;
	s20 =	sshll.u32 s6, $0x1;
	s6 =	sadd.s32 s21, s4  }
0x9e: {  	[timem:s8], [sflag:s22] =	dma.local [hbm:s6], s20  }
0x9f: {  	_ =	swait.ge [sflag:s22], s20  }
0xa0: {  	s5 =	ssub.s32 $0x0, s20;
	[sflag:s22] =	ssyncset.done $0x0  }
0xa1: {  	[sflag:s22] =	ssyncadd.s32 s5;
	_ =	sdelay $0x1  }
0xa2: {  	s23 =	simm.s32 $0x1B8B  }
0xa3: {  	_ =	swait.ge [sflag:s23], $0x1  }
0xa4: {  	[sflag:s23] =	ssyncset.done $0x0  }
0xa5: {  	s25 =	simm.s32 $0x1B8E;
	s24 =	sld [smem:$0x3FFE];
	[sflag:s23] =	ssyncadd.s32 $0xFFFFFFFF  }
0xa6: {  	s26 =	simm.s32 $execute0_lowered;
	[smem:$0x3FD2] =	sst s25  }
0xa7: {  	s6 =	sshll.u32 s26, $0x1;
	_ =	strace $0x80000046;
	[dreg:$0x1] =	wrdreg $0xFFFFFFFF  }
0xa8: {  	s28 =	simm.s32 $_size_execute0_lowered;
	s4 =	sadd.s32 s4, s6;
	[dreg:$0x0] =	wrdreg $0x0  }
0xa9: {  	s6 =	sshll.u32 s28, $0x1;
	[dreg:$0x2] =	wrdreg s4  }
0xaa: {  	[dreg:$0x3] =	wrdreg s6  }
0xab: {  	[dreg:$0x4] =	wrdreg $0xC0  }
0xac: {  	_ =	task [dreg:s8], $0x5FFFF  }
0xad: {  	[dreg:$0x1] =	wrdreg $0xFFFFFFFF  }
0xae: {  	[dreg:$0x0] =	wrdreg $0x60  }
0xaf: {  	[dreg:$0x2] =	wrdreg s24  }
0xb0: {  	[dreg:$0x3] =	wrdreg s2  }
0xb1: {  	[dreg:$0x4] =	wrdreg s18  }
0xb2: {  	[dreg:$0x5] =	wrdreg $0x9  }
0xb3: {  	_ =	task.clear_ibuf [dreg:s8], $0x6FFFF;
	_ =	strace $0x90000046  }
0xb4: {  	s29 =	simm.s32 $0x9;
	_ =	strace $0x80000048  }
0xb5: {  	_ =	swait.ge [sflag:s29], $0x1  }
0xb6: {  	[sflag:s29] =	ssyncadd.s32 $0xFFFFFFFF  }
0xb7: {  	_ =	strace $0x90000048  }
0xb8: {  	_ =	sfence  }
0xb9: {  	s30 =	sld [smem:$0x0];
	_ =	sdelay $0x2  }
0xba: {  	s31 =	sshll.u32 s1, $0xD;
	s1 =	sshrl.u32 s1, $0x2  }
0xbb: {  	s3 =	sand.u32 $0x4000, s31;
	s1 =	sadd.s32 s1, s30  }
0xbc: {  	s0 =	sor.u32 s3, s0;
	s1 =	sshll.u32 s1, $0x11  }
0xbd: {  	s0 =	sor.u32 s1, s0  }
0xbe: {  	s0 =	sadd.s32 $0x8F2B, s0  }
0xbf: {  	[sflag:s0] =	ssyncadd.remote.s32 $0x1  }
0xc0: {  	_ =	sfence.sel $0xFFFF  }
0xc1: {  	[dreg:$0x0] =	wrdreg $0xFFFFFFFF;
	(pc) =	sbr.abs _section_cstart, $3  }
0xc2: {  	[dreg:$0x1] =	wrdreg $0xFFFFFFFF  }
0xc3: {  	_ =	task.clear_ibuf [dreg:s8], $0x2FFFF;
	_ =	strace $0x9FFFFFFF  }
0xc4: {  	(tm) =	ssettm $0x7FFFFFFF  }
0xc5: {  	_ =	shalt  }
tec
execute0_lowered:
.L_overlay_start_1:
0x0: {  	(tag) =	ssettag $0x1  }
0x1: {  	s0 =	srdreg.scid  }
0x2: {  	s9 =	sand.u32 $0x1, s0;
	s0 =	stileid.u32  }
0x3: {  	s4 =	sor.u32 s0, s9  }
0x4: {  	p0 =	sne.s32 s4, $0x0  }
.Ltmp0:
0x5: {  	_ = 	snop;
	(pc) =	sbr.rel @p0 .LBB2_4-.Ltmp0, $4  }
0x6: {  	s6 =	rddreg [dreg:$0x0]  }
0x7: {  	s2 =	rddreg [dreg:$0x1]  }
0x8: {  	s3 =	rddreg [dreg:$0x2]  }
0x9: {  	s1 =	rddreg [dreg:$0x3];
	_ =	strace $0x80000047  }
0xa: {  	s5 =	simm.s32 $0x0;
	s4 =	simm.s32 $0x2  }
0xb: {  	[tilespmem:s5], [sflag:$0x2] =	stream.linear.gather [hbm4b:s2+s5], $0x8, $0x38;
	[tilespmem:$0x48] =	vst v63  }
0xc: {  	s6 =	sadd.s32 $0x187200, s6;
	s9 =	ssub.s32 $0x2, s9;
	_ =	swait.ge [sflag:s4], $0x8  }
0xd: {  	s7 =	simm.s32 $0x1;
	s10 =	sshrl.u32 s9, $0x1;
	[sflag:s4] =	ssyncset.done $0x0  }
0xe: {  	s8 =	simm.s32 $0x8;
	s9 =	ssub.s32 s9, s10;
	[sflag:s4] =	ssyncadd.s32 $0xFFFFFFF8  }
0xf: {  	[tilespmem:s8], [sflag:$0x1] =	stream.indirect.gather [hbm4b:s6+s7], $0x40, s5, s7, $0xb8;
	[tilespmem:$0x48] =	vst v63  }
0x10: {  	p0 =	sne.s32 s9, $0x1;
	_ =	swait.ge [sflag:s7], $0x40  }
.Ltmp1:
0x11: {  	[sflag:s7] =	ssyncset.done $0x0;
	(pc) =	sbr.rel @!p0 .LBB2_3-.Ltmp1, $4  }
0x12: {  	[sflag:s7] =	ssyncadd.s32 $0xFFFFFFC0  }
0x13: {  	[hbm4b:s3+s5] =	stream.linear.scatter [tilespmem:s8], [sflag:$0x2], $0x40, $0x38;
	[tilespmem:$0x48] =	vst v63  }
0x14: {  	_ =	swait.ge [sflag:s4], $0x40  }
0x15: {  	s9 =	sadd.s32 $0xFFFFFFFF, s9;
	[sflag:s4] =	ssyncset.done $0x0  }
.LBB2_2:
0x16: {  	p0 =	sne.s32 s9, $0x1;
	s9 =	sadd.s32 $0xFFFFFFFF, s9;
	[sflag:s4] =	ssyncadd.s32 $0xFFFFFFC0  }
0x17: {  	[tilespmem:s5], [sflag:$0x2] =	stream.linear.gather [hbm4b:s2+s5], $0x8, $0x38;
	[tilespmem:$0x48] =	vst v63  }
0x18: {  	_ =	swait.ge [sflag:s4], $0x8  }
0x19: {  	[sflag:s4] =	ssyncset.done $0x0  }
0x1a: {  	[sflag:s4] =	ssyncadd.s32 $0xFFFFFFF8  }
0x1b: {  	[tilespmem:s8], [sflag:$0x1] =	stream.indirect.gather [hbm4b:s6+s7], $0x40, s5, s7, $0xb8;
	[tilespmem:$0x48] =	vst v63  }
0x1c: {  	_ =	swait.ge [sflag:s7], $0x40  }
.Ltmp2:
0x1d: {  	[sflag:s7] =	ssyncset.done $0x0;
	(pc) =	sbr.rel @p0 .LBB2_2-.Ltmp2, $4  }
0x1e: {  	[sflag:s7] =	ssyncadd.s32 $0xFFFFFFC0  }
0x1f: {  	[hbm4b:s3+s5] =	stream.linear.scatter [tilespmem:s8], [sflag:$0x2], $0x40, $0x38;
	[tilespmem:$0x48] =	vst v63  }
0x20: {  	_ =	swait.ge [sflag:s4], $0x40  }
0x21: {  	[sflag:s4] =	ssyncset.done $0x0  }
.LBB2_3:
0x22: {  	[sflag:s4] =	ssyncadd.s32 $0xFFFFFFC0  }
.LBB2_4:
0x23: {  	_ =	sfence.sel $0x180000  }
0x24: {  	[bflag:$0x0] =	sbarrier.arrive $0xFFFF  }
0x25: {  	p0 =	sne.s32 s0, $0x0;
	_ =	strace $0x90000047  }
0x26: {  	s0 =	sadd.s32 @!p0 $0x100000, s1;
	[bflag:$0x2] =	sbarrier.arrive $0xFFFF  }
0x27: {  	[sflag:s0] =	ssyncadd.tile.s32 @!p0 $0x1;
	_ =	shalt  }
.Lfunc_end2:
_tile_overlayer_lowered:
.L_overlay_start_2:
0x28: {  	(tag) =	ssettag $0x2  }
0x29: {  	s0 =	rddreg [dreg:$0x0];
	s2 =	stileid.u32  }
0x2a: {  	s1 =	rddreg [dreg:$0x1];
	p0 =	sne.s32 s2, $0x0  }
0x2b: {  	s3 =	rddreg [dreg:$0x2];
	[bflag:$0x3] =	sbarrier.arrive $0xFFFF;
	s2 =	simm.s32 @!p0 $0x1C02  }
0x2c: {  	[timem:s3], [sflag:s2] =	dma.local @!p0 [hbm:s0], s1  }
0x2d: {  	s0 =	simm.s32 @!p0 $0x2  }
0x2e: {  	_ =	swait.ge @!p0 [sflag:s0], s1  }
0x2f: {  	s1 =	ssub.s32 @!p0 $0x0, s1;
	[sflag:s0] =	ssyncset.done @!p0 $0x0  }
0x30: {  	[sflag:s0] =	ssyncadd.s32 @!p0 s1  }
0x31: {  	[bflag:$0x3] =	sbarrier.arrive $0xFFFF  }
0x32: {  	_ =	shalt  }

</sc_bundles>
